<compile_context>
chip_gen: v7x
topology: tpu7x:2x2x1
jax: 0.10.2.dev20260603
libtpu: 0.0.44.dev20260713+nightly
codegen_flags: <defaults>
</compile_context>

<pallas_src>
import functools

import jax
import jax.numpy as jnp
from jax import lax
from jax.experimental import pallas as pl
from jax.experimental.pallas import tpu as pltpu
from jax.experimental.pallas import tpu_sc as plsc

M = 32768
K = 384
C = 16384
DOWN = 4
MT = 1024
CT = 4096
DPAD = 16

_bf = jnp.bfloat16
_f32 = jnp.float32


def _argmin_body(p_ref, we_ref, be_ref, cb_ref, cn_ref, idx_ref,
                 zl_ref, zn_ref, mn_ref, ix_ref):
    c = pl.program_id(1)

    @pl.when(c == 0)
    def _init():
        pre = lax.dot_general(p_ref[...].astype(_bf), we_ref[...].astype(_bf),
                              (((1,), (0,)), ((), ())),
                              preferred_element_type=_f32)
        z = jnp.tanh(pre + be_ref[...])
        zn_ref[...] = jnp.sum(z * z, axis=1, keepdims=True)
        zl_ref[...] = (2.0 * z).astype(_bf)
        mn_ref[...] = jnp.full((MT, 1), _f32(jnp.inf)).astype(_bf)
        ix_ref[...] = jnp.zeros((MT, 1), jnp.int32)

    s = lax.dot_general(zl_ref[...], cb_ref[...], (((1,), (1,)), ((), ())),
                        preferred_element_type=_f32)
    dm = (zn_ref[...] - s) + cn_ref[...]
    lmin = jnp.min(dm, axis=1, keepdims=True)
    larg = jnp.argmin(dm, axis=1).astype(jnp.int32)[:, None] + c * CT
    better = lmin < mn_ref[...].astype(_f32)
    ix_ref[...] = jnp.where(better, larg, ix_ref[...])
    mn_ref[...] = jnp.where(better, lmin.astype(_bf), mn_ref[...])

    @pl.when(c == pl.num_programs(1) - 1)
    def _emit():
        idx_ref[...] = ix_ref[...]


def _vq_argmin(patches, W_enc, b_enc, codebook_bf, cnorm):
    idx2 = pl.pallas_call(
        _argmin_body,
        grid=(M // MT, C // CT),
        in_specs=[
            pl.BlockSpec((MT, DOWN), lambda m, c: (m, 0)),
            pl.BlockSpec((DOWN, K), lambda m, c: (0, 0)),
            pl.BlockSpec((1, K), lambda m, c: (0, 0)),
            pl.BlockSpec((CT, K), lambda m, c: (c, 0)),
            pl.BlockSpec((1, CT), lambda m, c: (0, c)),
        ],
        out_specs=pl.BlockSpec((MT, 1), lambda m, c: (m, 0)),
        out_shape=jax.ShapeDtypeStruct((M, 1), jnp.int32),
        scratch_shapes=[
            pltpu.VMEM((MT, K), _bf),
            pltpu.VMEM((MT, 1), _f32),
            pltpu.VMEM((MT, 1), _bf),
            pltpu.VMEM((MT, 1), jnp.int32),
        ],
        compiler_params=pltpu.CompilerParams(
            dimension_semantics=("arbitrary", "arbitrary")),
    )(patches, W_enc, b_enc, codebook_bf, cnorm)
    return idx2[:, 0]


def _dec_body(cb_ref, wd_ref, bd_ref, out_ref, cn_ref):
    cb = cb_ref[...]
    out_ref[...] = lax.dot_general(
        cb, wd_ref[...], (((1,), (0,)), ((), ())),
        precision=lax.Precision.HIGHEST,
        preferred_element_type=_f32) + bd_ref[...]
    cn_ref[...] = jnp.sum(cb * cb, axis=1)[None, :]


def _decoded_codebook(codebook, W_dec_pad, b_dec_pad):
    return pl.pallas_call(
        _dec_body,
        grid=(C // CT,),
        in_specs=[
            pl.BlockSpec((CT, K), lambda i: (i, 0)),
            pl.BlockSpec((K, DPAD), lambda i: (0, 0)),
            pl.BlockSpec((1, DPAD), lambda i: (0, 0)),
        ],
        out_specs=[
            pl.BlockSpec((CT, DPAD), lambda i: (i, 0)),
            pl.BlockSpec((1, CT), lambda i: (0, i)),
        ],
        out_shape=[
            jax.ShapeDtypeStruct((C, DPAD), jnp.float32),
            jax.ShapeDtypeStruct((1, C), jnp.float32),
        ],
    )(codebook, W_dec_pad, b_dec_pad)


def _sc_gather(table, idx):
    info = plsc.get_sparse_core_info()
    nw = info.num_cores * info.num_subcores
    b_per_w = M // nw
    mesh = plsc.VectorSubcoreMesh(core_axis_name="c", subcore_axis_name="s")

    @functools.partial(
        pl.kernel, mesh=mesh,
        compiler_params=pltpu.CompilerParams(use_tc_tiling_on_sc=False),
        out_type=jax.ShapeDtypeStruct((M, DPAD), jnp.float32),
        scratch_types=[
            pltpu.VMEM((b_per_w,), jnp.int32),
            pltpu.VMEM((b_per_w, DPAD), jnp.float32),
            pltpu.SemaphoreType.DMA,
        ],
    )
    def k(table_hbm, idx_hbm, out_hbm, idx_v, rows_v, sem):
        wid = lax.axis_index("s") * info.num_cores + lax.axis_index("c")
        base = wid * b_per_w
        pltpu.sync_copy(idx_hbm.at[pl.ds(base, b_per_w)], idx_v)
        pltpu.async_copy(table_hbm.at[idx_v], rows_v, sem).wait()
        pltpu.sync_copy(rows_v, out_hbm.at[pl.ds(base, b_per_w)])

    return k(table, idx)


def kernel(data, W_enc, b_enc, codebook, W_dec, b_dec):
    patches = data.reshape(M, DOWN)
    W_dec_pad = jnp.pad(W_dec, ((0, 0), (0, DPAD - DOWN)))
    b_dec_pad = jnp.pad(b_dec, (0, DPAD - DOWN)).reshape(1, DPAD)
    dec_cb, cnorm = _decoded_codebook(codebook, W_dec_pad, b_dec_pad)
    idx = _vq_argmin(patches, W_enc, b_enc.reshape(1, K),
                     codebook.astype(_bf), cnorm)
    rows = _sc_gather(dec_cb, idx)
    recon = rows[:, :DOWN].reshape(-1)
    return recon, idx

# --- scband reference (transcript-rebuilt; emitter-appended) ---
"""Pipeline reference for scband-time-vqgan-tokenizer-70128226009481 (READ-ONLY COPY).

The authoritative reference and input builder live on the scoring server;
editing this copy changes nothing except your own understanding.
"""

import jax, jax.numpy as jnp
import numpy as np

NUM_CODES = 16384
LATENT = 384
DOWN = 4
BATCH_LEN = 512
N = 131072  # 256 windows of 512, divisible -> no padding, pad_mask all False


def setup_inputs(seed: int = 0) -> dict:
    key = jax.random.key(seed)
    ks = jax.random.split(key, 6)
    data = jax.random.normal(ks[0], (N,), dtype=jnp.float32)
    # learned parameters of the (reconstructed) TimeVQGAN encoder/decoder + codebook
    W_enc = jax.random.normal(ks[1], (DOWN, LATENT), dtype=jnp.float32) * 0.02
    b_enc = jnp.zeros((LATENT,), dtype=jnp.float32)
    codebook = jax.random.normal(ks[2], (NUM_CODES, LATENT), dtype=jnp.float32) * 0.02
    W_dec = jax.random.normal(ks[3], (LATENT, DOWN), dtype=jnp.float32) * 0.02
    b_dec = jnp.zeros((DOWN,), dtype=jnp.float32)
    return {"data": data, "W_enc": W_enc, "b_enc": b_enc,
            "codebook": codebook, "W_dec": W_dec, "b_dec": b_dec}


def _unfold(data):
    # unfold_data with batch_len=512; N divisible by 512 -> no padding needed
    B = data.shape[0] // BATCH_LEN
    return data.reshape(B, BATCH_LEN)


def reference(data, W_enc, b_enc, codebook, W_dec, b_dec):
    # encode(): unfold -> unsqueeze(-1) -> ts2code (conv encoder + VQ lookup)
    batched = _unfold(data)                                   # [B, 512]
    B = batched.shape[0]
    T = BATCH_LEN // DOWN                                     # 128 tokens per window (downsample_ratio=4)
    patches = batched.reshape(B, T, DOWN)                     # stride-4 kernel-4 conv == patchify
    z = jnp.tanh(patches @ W_enc + b_enc)                     # [B, 128, 384] latent
    flat = z.reshape(-1, LATENT)                              # [B*128, 384]
    # VQ: nearest codebook vector (squared L2)
    d = (jnp.sum(flat ** 2, axis=1, keepdims=True)
         - 2.0 * flat @ codebook.T
         + jnp.sum(codebook ** 2, axis=1)[None, :])           # [B*128, 16384]
    idx = jnp.argmin(d, axis=1)                               # code_index
    q = jnp.take(codebook, idx, axis=0)                       # gather codes
    q_st = flat + jax.lax.stop_gradient(q - flat)             # straight-through
    # decode(): code2ts (conv decoder, upsample x4) + fold_data (no padding here)
    dec = q_st.reshape(B, T, LATENT) @ W_dec + b_dec          # [B, 128, 4]
    recon = dec.reshape(-1)                                   # [131072]
    code_index = idx.reshape(-1)                              # [B*128] flattened as in encode()
    return recon, code_index

if __name__ == "__main__":
    import jax
    _d = setup_inputs()
    print(jax.jit(kernel)(*tuple(_d.values())))

</pallas_src>

<mosaic_0001>
#map = affine_map<(d0, d1) -> (0, 0)>
#map1 = affine_map<(d0, d1) -> (0)>
module attributes {stable_mosaic.version = 14 : i64} {
  func.func @k(%arg0: i32, %arg1: i32, %arg2: memref<16384x16xf32, #tpu.memory_space<hbm>>, %arg3: memref<32768xi32, #tpu.memory_space<hbm>>, %arg4: memref<32768x16xf32, #tpu.memory_space<hbm>>, %arg5: memref<1024xi32, #tpu.memory_space<vmem>>, %arg6: memref<1024x16xf32, #tpu.memory_space<vmem>>, %arg7: memref<!tpu.dma_semaphore, #tpu.memory_space<semaphore_mem>>) attributes {dimension_semantics = [#tpu.dimension_semantics<core_parallel>, #tpu.dimension_semantics<subcore_parallel>], iteration_bounds = array<i64: 2, 16>, scalar_prefetch = 0 : i64, scratch_operands = 3 : i64, tpu.core_type = #tpu.core_type<sc_vector_subcore>, window_params = [{transform_indices = #map}, {transform_indices = #map1}, {transform_indices = #map}]} {
    %mul3A = arith.constant 2 : i32
    %mul3A_0 = arith.muli %arg1, %mul3A : i32
    %add3A = arith.addi %mul3A_0, %arg0 : i32
    %mul3A_1 = arith.constant 1024 : i32
    %mul3A_2 = arith.muli %add3A, %mul3A_1 : i32
    "tpu.region"() ({
      %run_scoped3A = tpu.sem_alloc : memref<!tpu.dma_semaphore, #tpu.memory_space<semaphore_mem>>
      %dma_start3A_7 = tpu.memref_slice %arg3[%mul3A_2] : memref<32768xi32, #tpu.memory_space<hbm>> -> memref<1024xi32, #tpu.memory_space<hbm>>
      %dma_start3A_8 = tpu.memref_slice %arg3[%mul3A_2] : memref<32768xi32, #tpu.memory_space<hbm>> -> memref<1024xi32, #tpu.memory_space<hbm>>
      tpu.enqueue_dma source(%dma_start3A_8 : memref<1024xi32, #tpu.memory_space<hbm>>) target(%arg5 : memref<1024xi32, #tpu.memory_space<vmem>>) target_semaphore(%run_scoped3A : memref<!tpu.dma_semaphore, #tpu.memory_space<semaphore_mem>>)
      %dma_wait3A_9 = tpu.memref_slice %arg3[%mul3A_2] : memref<32768xi32, #tpu.memory_space<hbm>> -> memref<1024xi32, #tpu.memory_space<hbm>>
      %dma_wait3A_10 = tpu.memref_slice %arg3[%mul3A_2] : memref<32768xi32, #tpu.memory_space<hbm>> -> memref<1024xi32, #tpu.memory_space<hbm>>
      tpu.wait_dma2 semaphore(%run_scoped3A : memref<!tpu.dma_semaphore, #tpu.memory_space<semaphore_mem>>) src(%dma_wait3A_10 : memref<1024xi32, #tpu.memory_space<hbm>>) dst(%arg5 : memref<1024xi32, #tpu.memory_space<vmem>>)
      tpu.yield
    }) : () -> ()
    %dma_start3A = arith.constant 0 : i32
    %dma_start3A_3 = arith.constant 0 : i32
    %dma_start3A_4 = tpu.memref_slice %arg2[%dma_start3A, %dma_start3A_3] : memref<16384x16xf32, #tpu.memory_space<hbm>> -> memref<16384x16xf32, #tpu.memory_space<hbm>>
    tpu.enqueue_indirect_dma source(%dma_start3A_4 : memref<16384x16xf32, #tpu.memory_space<hbm>>) target(%arg6 : memref<1024x16xf32, #tpu.memory_space<vmem>>) offsets(%arg5 : memref<1024xi32, #tpu.memory_space<vmem>>) semaphore(%arg7 : memref<!tpu.dma_semaphore, #tpu.memory_space<semaphore_mem>>)
    %dma_wait3A = arith.constant 0 : i32
    %dma_wait3A_5 = arith.constant 0 : i32
    %dma_wait3A_6 = tpu.memref_slice %arg2[%dma_wait3A, %dma_wait3A_5] : memref<16384x16xf32, #tpu.memory_space<hbm>> -> memref<16384x16xf32, #tpu.memory_space<hbm>>
    tpu.wait_indirect_dma semaphore(%arg7 : memref<!tpu.dma_semaphore, #tpu.memory_space<semaphore_mem>>) src(%dma_wait3A_6 : memref<16384x16xf32, #tpu.memory_space<hbm>>) dst(%arg6 : memref<1024x16xf32, #tpu.memory_space<vmem>>)
    "tpu.region"() ({
      %run_scoped3A = tpu.sem_alloc : memref<!tpu.dma_semaphore, #tpu.memory_space<semaphore_mem>>
      %dma_start3A_7 = arith.constant 0 : i32
      %dma_start3A_8 = tpu.memref_slice %arg4[%mul3A_2, %dma_start3A_7] : memref<32768x16xf32, #tpu.memory_space<hbm>> -> memref<1024x16xf32, #tpu.memory_space<hbm>>
      %dma_start3A_9 = arith.constant 0 : i32
      %dma_start3A_10 = tpu.memref_slice %arg4[%mul3A_2, %dma_start3A_9] : memref<32768x16xf32, #tpu.memory_space<hbm>> -> memref<1024x16xf32, #tpu.memory_space<hbm>>
      tpu.enqueue_dma source(%arg6 : memref<1024x16xf32, #tpu.memory_space<vmem>>) target(%dma_start3A_10 : memref<1024x16xf32, #tpu.memory_space<hbm>>) target_semaphore(%run_scoped3A : memref<!tpu.dma_semaphore, #tpu.memory_space<semaphore_mem>>)
      %dma_wait3A_11 = arith.constant 0 : i32
      %dma_wait3A_12 = tpu.memref_slice %arg4[%mul3A_2, %dma_wait3A_11] : memref<32768x16xf32, #tpu.memory_space<hbm>> -> memref<1024x16xf32, #tpu.memory_space<hbm>>
      %dma_wait3A_13 = arith.constant 0 : i32
      %dma_wait3A_14 = tpu.memref_slice %arg4[%mul3A_2, %dma_wait3A_13] : memref<32768x16xf32, #tpu.memory_space<hbm>> -> memref<1024x16xf32, #tpu.memory_space<hbm>>
      tpu.wait_dma2 semaphore(%run_scoped3A : memref<!tpu.dma_semaphore, #tpu.memory_space<semaphore_mem>>) src(%arg6 : memref<1024x16xf32, #tpu.memory_space<vmem>>) dst(%dma_wait3A_14 : memref<1024x16xf32, #tpu.memory_space<hbm>>)
      tpu.yield
    }) : () -> ()
    return
  }
}

module attributes {stable_mosaic.version = 14 : i64} {
  func.func @_dec_body(%arg0: i32, %arg1: memref<4096x384xf32, #tpu.memory_space<vmem>>, %arg2: memref<384x16xf32, #tpu.memory_space<vmem>>, %arg3: memref<1x16xf32, #tpu.memory_space<vmem>>, %arg4: memref<4096x16xf32, #tpu.memory_space<vmem>>, %arg5: memref<1x4096xf32, #tpu.memory_space<vmem>>) attributes {dimension_semantics = [#tpu.dimension_semantics<arbitrary>], iteration_bounds = array<i64: 4>, scalar_prefetch = 0 : i64, scratch_operands = 0 : i64, tpu.core_type = #tpu.core_type<tc>, window_params = [{transform_indices = @transform_0, window_bounds = array<i64: 4096, 384>}, {pipeline_mode = #tpu.pipeline_mode<synchronous>, transform_indices = @transform_1, window_bounds = array<i64: 384, 16>}, {pipeline_mode = #tpu.pipeline_mode<synchronous>, transform_indices = @transform_2, window_bounds = array<i64: 1, 16>}, {transform_indices = @transform_3, window_bounds = array<i64: 4096, 16>}, {transform_indices = @transform_4, window_bounds = array<i64: 1, 4096>}]} {
    %get3A = arith.constant 0 : index
    %get3A_0 = arith.constant 0 : index
    %get3A_1 = vector.load %arg1[%get3A, %get3A_0] : memref<4096x384xf32, #tpu.memory_space<vmem>>, vector<4096x384xf32>
    %get3A_2 = arith.constant 0 : index
    %get3A_3 = arith.constant 0 : index
    %get3A_4 = vector.load %arg2[%get3A_2, %get3A_3] : memref<384x16xf32, #tpu.memory_space<vmem>>, vector<384x16xf32>
    %dot_general3A = arith.constant dense<0.000000e+00> : vector<4096x16xf32>
    %dot_general3A_5 = tpu.matmul %get3A_1, %get3A_4, %dot_general3A {dimension_numbers = #tpu.dot_dimension_numbers<[1], [0], [0], [1], [0, 0, 1, 1], [], []>, precision = #tpu.contract_precision<fp32>, transpose_lhs_hint = false} : vector<4096x384xf32>, vector<384x16xf32>, vector<4096x16xf32> -> vector<4096x16xf32>
    %get3A_6 = arith.constant 0 : index
    %get3A_7 = arith.constant 0 : index
    %get3A_8 = vector.load %arg3[%get3A_6, %get3A_7] : memref<1x16xf32, #tpu.memory_space<vmem>>, vector<1x16xf32>
    %add3A = vector.broadcast %get3A_8 : vector<1x16xf32> to vector<4096x16xf32>
    %add3A_9 = arith.addf %dot_general3A_5, %add3A : vector<4096x16xf32>
    %swap3A = arith.constant 0 : index
    %swap3A_10 = arith.constant 0 : index
    %swap3A_11 = vector.load %arg4[%swap3A, %swap3A_10] : memref<4096x16xf32, #tpu.memory_space<vmem>>, vector<4096x16xf32>
    tpu.vector_store %arg4[%swap3A, %swap3A_10], %add3A_9 {strides = array<i32>} : memref<4096x16xf32, #tpu.memory_space<vmem>>, vector<4096x16xf32>,
    %mul3A = arith.mulf %get3A_1, %get3A_1 : vector<4096x384xf32>
    %reduce_sum3A = arith.constant dense<0.000000e+00> : vector<4096xf32>
    %reduce_sum3A_12 = vector.multi_reduction <add>, %mul3A, %reduce_sum3A [1] : vector<4096x384xf32> to vector<4096xf32>
    %broadcast_in_dim3A = vector.shape_cast %reduce_sum3A_12 : vector<4096xf32> to vector<1x4096xf32>
    %swap3A_13 = arith.constant 0 : index
    %swap3A_14 = arith.constant 0 : index
    %swap3A_15 = vector.load %arg5[%swap3A_13, %swap3A_14] : memref<1x4096xf32, #tpu.memory_space<vmem>>, vector<1x4096xf32>
    tpu.vector_store %arg5[%swap3A_13, %swap3A_14], %broadcast_in_dim3A {strides = array<i32>} : memref<1x4096xf32, #tpu.memory_space<vmem>>, vector<1x4096xf32>,
    return
  }
  func.func @transform_0(%arg0: i32) -> (i32, i32) {
    %c0_i32 = arith.constant 0 : i32
    %c0_i32_0 = arith.constant 0 : i32
    return %arg0, %c0_i32 : i32, i32
  }
  func.func @transform_1(%arg0: i32) -> (i32, i32) {
    %c0_i32 = arith.constant 0 : i32
    %c0_i32_0 = arith.constant 0 : i32
    %c0_i32_1 = arith.constant 0 : i32
    return %c0_i32, %c0_i32_0 : i32, i32
  }
  func.func @transform_2(%arg0: i32) -> (i32, i32) {
    %c0_i32 = arith.constant 0 : i32
    %c0_i32_0 = arith.constant 0 : i32
    %c0_i32_1 = arith.constant 0 : i32
    return %c0_i32, %c0_i32_0 : i32, i32
  }
  func.func @transform_3(%arg0: i32) -> (i32, i32) {
    %c0_i32 = arith.constant 0 : i32
    %c0_i32_0 = arith.constant 0 : i32
    return %arg0, %c0_i32 : i32, i32
  }
  func.func @transform_4(%arg0: i32) -> (i32, i32) {
    %c0_i32 = arith.constant 0 : i32
    %c0_i32_0 = arith.constant 0 : i32
    return %c0_i32, %arg0 : i32, i32
  }
}

module attributes {stable_mosaic.version = 14 : i64} {
  func.func @_argmin_body(%arg0: i32, %arg1: i32, %arg2: memref<1024x4xf32, #tpu.memory_space<vmem>>, %arg3: memref<4x384xf32, #tpu.memory_space<vmem>>, %arg4: memref<1x384xf32, #tpu.memory_space<vmem>>, %arg5: memref<4096x384xbf16, #tpu.memory_space<vmem>>, %arg6: memref<1x4096xf32, #tpu.memory_space<vmem>>, %arg7: memref<1024x1xi32, #tpu.memory_space<vmem>>, %arg8: memref<1024x384xbf16, #tpu.memory_space<vmem>>, %arg9: memref<1024x1xf32, #tpu.memory_space<vmem>>, %arg10: memref<1024x1xbf16, #tpu.memory_space<vmem>>, %arg11: memref<1024x1xi32, #tpu.memory_space<vmem>>) attributes {dimension_semantics = [#tpu.dimension_semantics<arbitrary>, #tpu.dimension_semantics<arbitrary>], iteration_bounds = array<i64: 32, 4>, scalar_prefetch = 0 : i64, scratch_operands = 4 : i64, tpu.core_type = #tpu.core_type<tc>, window_params = [{transform_indices = @transform_0, window_bounds = array<i64: 1024, 4>}, {pipeline_mode = #tpu.pipeline_mode<synchronous>, transform_indices = @transform_1, window_bounds = array<i64: 4, 384>}, {pipeline_mode = #tpu.pipeline_mode<synchronous>, transform_indices = @transform_2, window_bounds = array<i64: 1, 384>}, {transform_indices = @transform_3, window_bounds = array<i64: 4096, 384>}, {transform_indices = @transform_4, window_bounds = array<i64: 1, 4096>}, {transform_indices = @transform_5, window_bounds = array<i64: 1024, 1>}]} {
    %eq3A = arith.constant 0 : i32
    %eq3A_0 = arith.cmpi eq, %arg1, %eq3A : i32
    %convert_element_type3A = arith.extui %eq3A_0 : i1 to i32
    %cond3A = arith.constant 0 : i32
    %cond3A_1 = arith.cmpi ne, %convert_element_type3A, %cond3A : i32
    scf.if %cond3A_1 {
      %get3A_43 = arith.constant 0 : index
      %get3A_44 = arith.constant 0 : index
      %get3A_45 = vector.load %arg2[%get3A_43, %get3A_44] : memref<1024x4xf32, #tpu.memory_space<vmem>>, vector<1024x4xf32>
      %convert_element_type3A_46 = arith.truncf %get3A_45 : vector<1024x4xf32> to vector<1024x4xbf16>
      %get3A_47 = arith.constant 0 : index
      %get3A_48 = arith.constant 0 : index
      %get3A_49 = vector.load %arg3[%get3A_47, %get3A_48] : memref<4x384xf32, #tpu.memory_space<vmem>>, vector<4x384xf32>
      %convert_element_type3A_50 = arith.truncf %get3A_49 : vector<4x384xf32> to vector<4x384xbf16>
      %dot_general3A_51 = arith.constant dense<0.000000e+00> : vector<1024x384xf32>
      %dot_general3A_52 = tpu.matmul %convert_element_type3A_46, %convert_element_type3A_50, %dot_general3A_51 {dimension_numbers = #tpu.dot_dimension_numbers<[1], [0], [0], [1], [0, 0, 1, 1], [], []>, transpose_lhs_hint = false} : vector<1024x4xbf16>, vector<4x384xbf16>, vector<1024x384xf32> -> vector<1024x384xf32>
      %get3A_53 = arith.constant 0 : index
      %get3A_54 = arith.constant 0 : index
      %get3A_55 = vector.load %arg4[%get3A_53, %get3A_54] : memref<1x384xf32, #tpu.memory_space<vmem>>, vector<1x384xf32>
      %add3A_56 = vector.broadcast %get3A_55 : vector<1x384xf32> to vector<1024x384xf32>
      %add3A_57 = arith.addf %dot_general3A_52, %add3A_56 : vector<1024x384xf32>
      %tanh3A = math.tanh %add3A_57 : vector<1024x384xf32>
      %mul3A_58 = arith.mulf %tanh3A, %tanh3A : vector<1024x384xf32>
      %reduce_sum3A = arith.constant dense<0.000000e+00> : vector<1024xf32>
      %reduce_sum3A_59 = vector.multi_reduction <add>, %mul3A_58, %reduce_sum3A [1] : vector<1024x384xf32> to vector<1024xf32>
      %broadcast_in_dim3A_60 = vector.shape_cast %reduce_sum3A_59 : vector<1024xf32> to vector<1024x1xf32>
      %swap3A_61 = arith.constant 0 : index
      %swap3A_62 = arith.constant 0 : index
      %swap3A_63 = vector.load %arg9[%swap3A_61, %swap3A_62] : memref<1024x1xf32, #tpu.memory_space<vmem>>, vector<1024x1xf32>
      tpu.vector_store %arg9[%swap3A_61, %swap3A_62], %broadcast_in_dim3A_60 {strides = array<i32>} : memref<1024x1xf32, #tpu.memory_space<vmem>>, vector<1024x1xf32>,
      %mul3A_64 = arith.constant 2.000000e+00 : f32
      %mul3A_65 = vector.broadcast %mul3A_64 : f32 to vector<1024x384xf32>
      %mul3A_66 = arith.mulf %mul3A_65, %tanh3A : vector<1024x384xf32>
      %convert_element_type3A_67 = arith.truncf %mul3A_66 : vector<1024x384xf32> to vector<1024x384xbf16>
      %swap3A_68 = arith.constant 0 : index
      %swap3A_69 = arith.constant 0 : index
      %swap3A_70 = vector.load %arg8[%swap3A_68, %swap3A_69] : memref<1024x384xbf16, #tpu.memory_space<vmem>>, vector<1024x384xbf16>
      tpu.vector_store %arg8[%swap3A_68, %swap3A_69], %convert_element_type3A_67 {strides = array<i32>} : memref<1024x384xbf16, #tpu.memory_space<vmem>>, vector<1024x384xbf16>,
      %broadcast_in_dim3A_71 = arith.constant 0x7F800000 : f32
      %broadcast_in_dim3A_72 = vector.broadcast %broadcast_in_dim3A_71 : f32 to vector<1024x1xf32>
      %convert_element_type3A_73 = arith.truncf %broadcast_in_dim3A_72 : vector<1024x1xf32> to vector<1024x1xbf16>
      %swap3A_74 = arith.constant 0 : index
      %swap3A_75 = arith.constant 0 : index
      %swap3A_76 = vector.load %arg10[%swap3A_74, %swap3A_75] : memref<1024x1xbf16, #tpu.memory_space<vmem>>, vector<1024x1xbf16>
      tpu.vector_store %arg10[%swap3A_74, %swap3A_75], %convert_element_type3A_73 {strides = array<i32>} : memref<1024x1xbf16, #tpu.memory_space<vmem>>, vector<1024x1xbf16>,
      %broadcast_in_dim3A_77 = arith.constant 0 : i32
      %broadcast_in_dim3A_78 = vector.broadcast %broadcast_in_dim3A_77 : i32 to vector<1024x1xi32>
      %swap3A_79 = arith.constant 0 : index
      %swap3A_80 = arith.constant 0 : index
      %swap3A_81 = vector.load %arg11[%swap3A_79, %swap3A_80] : memref<1024x1xi32, #tpu.memory_space<vmem>>, vector<1024x1xi32>
      tpu.vector_store %arg11[%swap3A_79, %swap3A_80], %broadcast_in_dim3A_78 {strides = array<i32>} : memref<1024x1xi32, #tpu.memory_space<vmem>>, vector<1024x1xi32>,
    } else {
    }
    %get3A = arith.constant 0 : index
    %get3A_2 = arith.constant 0 : index
    %get3A_3 = vector.load %arg8[%get3A, %get3A_2] : memref<1024x384xbf16, #tpu.memory_space<vmem>>, vector<1024x384xbf16>
    %get3A_4 = arith.constant 0 : index
    %get3A_5 = arith.constant 0 : index
    %get3A_6 = vector.load %arg5[%get3A_4, %get3A_5] : memref<4096x384xbf16, #tpu.memory_space<vmem>>, vector<4096x384xbf16>
    %dot_general3A = arith.constant dense<0.000000e+00> : vector<1024x4096xf32>
    %dot_general3A_7 = tpu.matmul %get3A_3, %get3A_6, %dot_general3A {dimension_numbers = #tpu.dot_dimension_numbers<[1], [1], [0], [0], [0, 0, 1, 0], [], []>, transpose_lhs_hint = false} : vector<1024x384xbf16>, vector<4096x384xbf16>, vector<1024x4096xf32> -> vector<1024x4096xf32>
    %get3A_8 = arith.constant 0 : index
    %get3A_9 = arith.constant 0 : index
    %get3A_10 = vector.load %arg9[%get3A_8, %get3A_9] : memref<1024x1xf32, #tpu.memory_space<vmem>>, vector<1024x1xf32>
    %sub3A = vector.broadcast %get3A_10 : vector<1024x1xf32> to vector<1024x4096xf32>
    %sub3A_11 = arith.subf %sub3A, %dot_general3A_7 : vector<1024x4096xf32>
    %get3A_12 = arith.constant 0 : index
    %get3A_13 = arith.constant 0 : index
    %get3A_14 = vector.load %arg6[%get3A_12, %get3A_13] : memref<1x4096xf32, #tpu.memory_space<vmem>>, vector<1x4096xf32>
    %add3A = vector.broadcast %get3A_14 : vector<1x4096xf32> to vector<1024x4096xf32>
    %add3A_15 = arith.addf %sub3A_11, %add3A : vector<1024x4096xf32>
    %reduce_min3A = arith.constant dense<0x7F800000> : vector<1024xf32>
    %reduce_min3A_16 = vector.multi_reduction <minimumf>, %add3A_15, %reduce_min3A [1] : vector<1024x4096xf32> to vector<1024xf32>
    %broadcast_in_dim3A = vector.shape_cast %reduce_min3A_16 : vector<1024xf32> to vector<1024x1xf32>
    %argmin3A = tpu.reduce_index %add3A_15 {axis = 1 : i32, kind = #tpu.reduction_kind<arg_min>} : vector<1024x4096xf32> -> vector<1024xi32>
    %broadcast_in_dim3A_17 = vector.shape_cast %argmin3A : vector<1024xi32> to vector<1024x1xi32>
    %mul3A = arith.constant 4096 : i32
    %mul3A_18 = arith.muli %arg1, %mul3A : i32
    %add3A_19 = vector.broadcast %mul3A_18 : i32 to vector<1024x1xi32>
    %add3A_20 = arith.addi %broadcast_in_dim3A_17, %add3A_19 : vector<1024x1xi32>
    %get3A_21 = arith.constant 0 : index
    %get3A_22 = arith.constant 0 : index
    %get3A_23 = vector.load %arg10[%get3A_21, %get3A_22] : memref<1024x1xbf16, #tpu.memory_space<vmem>>, vector<1024x1xbf16>
    %convert_element_type3A_24 = arith.extf %get3A_23 : vector<1024x1xbf16> to vector<1024x1xf32>
    %lt3A = arith.cmpf olt, %broadcast_in_dim3A, %convert_element_type3A_24 : vector<1024x1xf32>
    %get3A_25 = arith.constant 0 : index
    %get3A_26 = arith.constant 0 : index
    %get3A_27 = vector.load %arg11[%get3A_25, %get3A_26] : memref<1024x1xi32, #tpu.memory_space<vmem>>, vector<1024x1xi32>
    %select_n3A = arith.select %lt3A, %add3A_20, %get3A_27 : vector<1024x1xi1>, vector<1024x1xi32>
    %swap3A = arith.constant 0 : index
    %swap3A_28 = arith.constant 0 : index
    %swap3A_29 = vector.load %arg11[%swap3A, %swap3A_28] : memref<1024x1xi32, #tpu.memory_space<vmem>>, vector<1024x1xi32>
    tpu.vector_store %arg11[%swap3A, %swap3A_28], %select_n3A {strides = array<i32>} : memref<1024x1xi32, #tpu.memory_space<vmem>>, vector<1024x1xi32>,
    %convert_element_type3A_30 = arith.truncf %broadcast_in_dim3A : vector<1024x1xf32> to vector<1024x1xbf16>
    %get3A_31 = arith.constant 0 : index
    %get3A_32 = arith.constant 0 : index
    %get3A_33 = vector.load %arg10[%get3A_31, %get3A_32] : memref<1024x1xbf16, #tpu.memory_space<vmem>>, vector<1024x1xbf16>
    %select_n3A_34 = arith.select %lt3A, %convert_element_type3A_30, %get3A_33 : vector<1024x1xi1>, vector<1024x1xbf16>
    %swap3A_35 = arith.constant 0 : index
    %swap3A_36 = arith.constant 0 : index
    %swap3A_37 = vector.load %arg10[%swap3A_35, %swap3A_36] : memref<1024x1xbf16, #tpu.memory_space<vmem>>, vector<1024x1xbf16>
    tpu.vector_store %arg10[%swap3A_35, %swap3A_36], %select_n3A_34 {strides = array<i32>} : memref<1024x1xbf16, #tpu.memory_space<vmem>>, vector<1024x1xbf16>,
    %eq3A_38 = arith.constant 3 : i32
    %eq3A_39 = arith.cmpi eq, %arg1, %eq3A_38 : i32
    %convert_element_type3A_40 = arith.extui %eq3A_39 : i1 to i32
    %cond3A_41 = arith.constant 0 : i32
    %cond3A_42 = arith.cmpi ne, %convert_element_type3A_40, %cond3A_41 : i32
    scf.if %cond3A_42 {
      %get3A_43 = arith.constant 0 : index
      %get3A_44 = arith.constant 0 : index
      %get3A_45 = vector.load %arg11[%get3A_43, %get3A_44] : memref<1024x1xi32, #tpu.memory_space<vmem>>, vector<1024x1xi32>
      %swap3A_46 = arith.constant 0 : index
      %swap3A_47 = arith.constant 0 : index
      %swap3A_48 = vector.load %arg7[%swap3A_46, %swap3A_47] : memref<1024x1xi32, #tpu.memory_space<vmem>>, vector<1024x1xi32>
      tpu.vector_store %arg7[%swap3A_46, %swap3A_47], %get3A_45 {strides = array<i32>} : memref<1024x1xi32, #tpu.memory_space<vmem>>, vector<1024x1xi32>,
    } else {
    }
    return
  }
  func.func @transform_0(%arg0: i32, %arg1: i32) -> (i32, i32) {
    %c0_i32 = arith.constant 0 : i32
    %c0_i32_0 = arith.constant 0 : i32
    return %arg0, %c0_i32 : i32, i32
  }
  func.func @transform_1(%arg0: i32, %arg1: i32) -> (i32, i32) {
    %c0_i32 = arith.constant 0 : i32
    %c0_i32_0 = arith.constant 0 : i32
    %c0_i32_1 = arith.constant 0 : i32
    return %c0_i32, %c0_i32_0 : i32, i32
  }
  func.func @transform_2(%arg0: i32, %arg1: i32) -> (i32, i32) {
    %c0_i32 = arith.constant 0 : i32
    %c0_i32_0 = arith.constant 0 : i32
    %c0_i32_1 = arith.constant 0 : i32
    return %c0_i32, %c0_i32_0 : i32, i32
  }
  func.func @transform_3(%arg0: i32, %arg1: i32) -> (i32, i32) {
    %c0_i32 = arith.constant 0 : i32
    %c0_i32_0 = arith.constant 0 : i32
    return %arg1, %c0_i32 : i32, i32
  }
  func.func @transform_4(%arg0: i32, %arg1: i32) -> (i32, i32) {
    %c0_i32 = arith.constant 0 : i32
    %c0_i32_0 = arith.constant 0 : i32
    return %c0_i32, %arg1 : i32, i32
  }
  func.func @transform_5(%arg0: i32, %arg1: i32) -> (i32, i32) {
    %c0_i32 = arith.constant 0 : i32
    %c0_i32_0 = arith.constant 0 : i32
    return %arg0, %c0_i32 : i32, i32
  }
}

</mosaic_0001>

<sc_bundles>
// kernel: kernel.5.cloned.1.call-start
scs
__scs_entry_jumppad:
0x0: {  	(pc) =	sbr.rel $0x88, $3  }
0x1: {  	(tag) =	ssettag $0x0;
	lr =	simm.s32 $0x1  }
0x2: {  	[smem:$0x3F9B] =	sst lr;
	_ =	strace $0xD0000000  }
0x3: {  	_ = 	snop  }
0x4: {  	_ = 	snop  }
0x5: {  	_ = 	snop  }
0x6: {  	_ = 	snop  }
0x7: {  	_ = 	snop  }
__scs_overlays_trampoline_lowered:
0x8: {  	[smem:$0x3FAA] =	sst s0  }
0x9: {  	[smem:$0x3FAB] =	sst s1  }
0xa: {  	[smem:$0x3FAC] =	sst s2  }
0xb: {  	[smem:$0x3FAD] =	sst s3  }
0xc: {  	[smem:$0x3FAE] =	sst s4  }
0xd: {  	[smem:$0x3FAF] =	sst s5  }
0xe: {  	[smem:$0x3FB0] =	sst s6  }
0xf: {  	[smem:$0x3FB1] =	sst s7  }
0x10: {  	[smem:$0x3FB2] =	sst s8  }
0x11: {  	[smem:$0x3FB3] =	sst s9;
	s0 =	simm.s32 @!p0 $0x0  }
0x12: {  	s1 =	sld [smem:$0x3F99];
	s0 =	simm.s32 @p0 $0x1  }
0x13: {  	[smem:$0x3FB4] =	sst s0;
	s0 =	simm.s32 @!p1 $0x0  }
0x14: {  	s2 =	sld [smem:$0x3F98];
	s0 =	simm.s32 @p1 $0x1  }
0x15: {  	[smem:$0x3FB5] =	sst s0;
	s0 =	simm.s32 @!p2 $0x0  }
0x16: {  	s3 =	sld [smem:$0x3FDB];
	s0 =	simm.s32 @p2 $0x1  }
0x17: {  	s4 =	simm.s32 $0x1BF5;
	[smem:$0x3FB7] =	sst s0  }
0x18: {  	s0 =	sld [smem:$0x3F9A];
	_ =	swait.ge [sflag:s4], $0x0  }
0x19: {  	s7 =	sld [smem:$0x3F9B]  }
0x1a: {  	s8 =	sadd.s32 $0xFFFFE003, lr  }
0x1b: {  	s9 =	sadd.s32 $0xFFFFFEF7, lr;
	s5 =	simm.s32 $0xFFFFFFFF;
	p2 =	slt.u32 s8, $0xFFFFF086  }
0x1c: {  	p1 =	slt.u32 s9, $0xF7A;
	s5 =	simm.s32 @!p2 $0x0  }
0x1d: {  	s5 =	simm.s32 @p1 $0x1;
	p0 =	seq.s32 s7, s2  }
0x1e: {  	s7 =	smul.u32 @!p0 $0xF7A, s2;
	p2 =	seq.s32 @!p0 s5, $0x0  }
0x1f: {  	s9 =	smul.u32 $0xF7A, s1;
	s8 =	simm.s32 @!p0 $0x1BF5;
	p2 =	por !p2, p0  }
0x20: {  	[sflag:s8] =	ssyncset.s32 @!p0 $0xFFFFF086;
	s6 =	sadd.s32 @!p0 s3, s7;
	s7 =	simm.s32 @!p0 $0x108  }
0x21: {  	s3 =	sadd.s32 s3, s9;
	s6 =	sadd.s32 @!p0 $0x88, s6;
	s7 =	simm.s32 @p2 $0x1082  }
0x22: {  	[simem:s7], [sflag:s8] =	dma.local @!p0 [hbm:s6], $0xF7A  }
0x23: {  	s9 =	sor.u32 $0xD0000000, s2;
	s6 =	simm.s32 $0x108;
	_ =	swait.ge @!p0 [sflag:s8], $0x0  }
0x24: {  	s3 =	sadd.s32 $0x88, s3;
	s6 =	simm.s32 @!p1 $0x1082;
	[sflag:s4] =	ssyncset.s32 $0xFFFFF086  }
0x25: {  	[simem:s6], [sflag:s4] =	dma.local [hbm:s3], $0xF7A  }
0x26: {  	[smem:$0x3F9B] =	sst s1;
	(tag) =	ssettag s2;
	_ =	strace s9  }
0x27: {  	s1 =	sld [smem:$0x3FAB]  }
0x28: {  	s2 =	sld [smem:$0x3FAC]  }
0x29: {  	s4 =	sld [smem:$0x3FAE]  }
0x2a: {  	p0 =	seq.s32 s5, $0x0;
	s5 =	sld [smem:$0x3FAF]  }
0x2b: {  	s6 =	sld [smem:$0x3FB0]  }
0x2c: {  	s7 =	sld [smem:$0x3FB1]  }
0x2d: {  	s3 =	simm.s32 $0x108;
	s8 =	sld [smem:$0x3FB2]  }
0x2e: {  	s3 =	simm.s32 @!p0 $0x1082;
	s9 =	sld [smem:$0x3FB3]  }
0x2f: {  	lr =	sadd.s32 s0, s3;
	s0 =	sld [smem:$0x3FAA]  }
0x30: {  	s3 =	sld [smem:$0x3FAD]  }
0x31: {  	[smem:$0x3FB6] =	sst s10  }
0x32: {  	s10 =	sld [smem:$0x3FB4];
	_ =	sdelay $0x3  }
0x33: {  	p0 =	seq.s32 s10, $0x1;
	s10 =	sld [smem:$0x3FB6];
	_ =	sdelay $0x3  }
0x34: {  	[smem:$0x3FB6] =	sst s10  }
0x35: {  	s10 =	sld [smem:$0x3FB5];
	_ =	sdelay $0x3  }
0x36: {  	p1 =	seq.s32 s10, $0x1;
	s10 =	sld [smem:$0x3FB6];
	_ =	sdelay $0x3  }
0x37: {  	[smem:$0x3FB6] =	sst s10  }
0x38: {  	s10 =	sld [smem:$0x3FB7]  }
0x39: {  	_ = 	snop;
	(pc) =	sbr.ind lr, $3  }
0x3a: {  	_ = 	snop  }
0x3b: {  	_ = 	snop  }
0x3c: {  	p2 =	seq.s32 s10, $0x1;
	s10 =	sld [smem:$0x3FB6]  }
0x3d: {  	_ =	shalt  }
0x3e: {  	_ =	shalt  }
0x3f: {  	_ =	shalt  }
0x40: {  	_ =	shalt  }
0x41: {  	_ =	shalt  }
0x42: {  	_ =	shalt  }
0x43: {  	_ =	shalt  }
0x44: {  	_ =	shalt  }
0x45: {  	_ =	shalt  }
0x46: {  	_ =	shalt  }
0x47: {  	_ =	shalt  }
0x48: {  	_ =	shalt  }
0x49: {  	_ =	shalt  }
0x4a: {  	_ =	shalt  }
0x4b: {  	_ =	shalt  }
0x4c: {  	_ =	shalt  }
0x4d: {  	_ =	shalt  }
0x4e: {  	_ =	shalt  }
0x4f: {  	_ =	shalt  }
0x50: {  	_ =	shalt  }
0x51: {  	_ =	shalt  }
0x52: {  	_ =	shalt  }
0x53: {  	_ =	shalt  }
0x54: {  	_ =	shalt  }
0x55: {  	_ =	shalt  }
0x56: {  	_ =	shalt  }
0x57: {  	_ =	shalt  }
0x58: {  	_ =	shalt  }
0x59: {  	_ =	shalt  }
0x5a: {  	_ =	shalt  }
0x5b: {  	_ =	shalt  }
0x5c: {  	_ =	shalt  }
0x5d: {  	_ =	shalt  }
0x5e: {  	_ =	shalt  }
0x5f: {  	_ =	shalt  }
0x60: {  	_ =	shalt  }
0x61: {  	_ =	shalt  }
0x62: {  	_ =	shalt  }
0x63: {  	_ =	shalt  }
0x64: {  	_ =	shalt  }
0x65: {  	_ =	shalt  }
0x66: {  	_ =	shalt  }
0x67: {  	_ =	shalt  }
0x68: {  	_ =	shalt  }
0x69: {  	_ =	shalt  }
0x6a: {  	_ =	shalt  }
0x6b: {  	_ =	shalt  }
0x6c: {  	_ =	shalt  }
0x6d: {  	_ =	shalt  }
0x6e: {  	_ =	shalt  }
0x6f: {  	_ =	shalt  }
0x70: {  	_ =	shalt  }
0x71: {  	_ =	shalt  }
0x72: {  	_ =	shalt  }
0x73: {  	_ =	shalt  }
0x74: {  	_ =	shalt  }
0x75: {  	_ =	shalt  }
0x76: {  	_ =	shalt  }
0x77: {  	_ =	shalt  }
0x78: {  	_ =	shalt  }
0x79: {  	_ =	shalt  }
0x7a: {  	_ =	shalt  }
0x7b: {  	_ =	shalt  }
0x7c: {  	_ =	shalt  }
0x7d: {  	_ =	shalt  }
0x7e: {  	_ =	shalt  }
0x7f: {  	_ =	shalt  }
0x80: {  	_ =	shalt  }
0x81: {  	_ =	shalt  }
0x82: {  	_ =	shalt  }
0x83: {  	_ =	shalt  }
0x84: {  	_ =	shalt  }
0x85: {  	_ =	shalt  }
0x86: {  	_ =	shalt  }
0x87: {  	_ =	shalt  }
.Lfunc_end0:
.L_simem_size_0:
called_computation_lowered:
.L_overlay_start_0:
0x88: {  	s2 =	sld [smem:$0x3FD9]  }
0x89: {  	s3 =	sld [smem:$0x3FFE];
	_ =	sdelay $0x1  }
0x8a: {  	s1 =	srdreg.scid  }
0x8b: {  	s0 =	sand.u32 $0x1, s1  }
0x8c: {  	s14 =	sshll.u32 s0, $0xA;
	s2 =	sadd.s32 s3, s2  }
0x8d: {  	s2 =	sadd.s32 s2, s14  }
0x8e: {  	[smem:$0x3FC2] =	sst s2  }
0x8f: {  	_ = 	snop  }
0x90: {  	s2 =	sld [smem:$0x3FD0];
	_ =	sdelay $0x2  }
0x91: {  	s15 =	simm.s32 $0xA;
	s4 =	simm.s32 $0x10  }
0x92: {  	[smem:s4], [sflag:s15] =	dma.local [hbm:s2], $0x1  }
0x93: {  	_ =	swait.eq [sflag:s15], $0x1  }
0x94: {  	[sflag:s15] =	ssyncset.done $0x0  }
0x95: {  	[sflag:s15] =	ssyncadd.s32 $0xFFFFFFFF  }
0x96: {  	s16 =	sld [smem:$0x11];
	(tm) =	ssettm $0x1  }
0x97: {  	s17 =	sld [smem:$0x3FFB];
	_ =	sdelay $0x3  }
0x98: {  	_ =	strace s17  }
0x99: {  	s3 =	sld [smem:$0x3FFC];
	_ =	sdelay $0x3  }
0x9a: {  	_ =	strace s3  }
0x9b: {  	s3 =	sld [smem:$0x3FFD];
	_ =	sdelay $0x3  }
0x9c: {  	_ =	strace s3  }
0x9d: {  	_ =	strace $0x8FFFFFFF  }
0x9e: {  	s18 =	sld [smem:$0x3FDB];
	_ =	sdelay $0x1  }
0x9f: {  	s19 =	simm.s32 $_scs_section_size  }
0xa0: {  	s5 =	simm.s32 $_size__tile_overlayer_lowered;
	s6 =	simm.s32 $_tile_overlayer_lowered  }
0xa1: {  	s22 =	simm.s32 $0x1BFF;
	s21 =	sshll.u32 s6, $0x1;
	s3 =	sadd.s32 s19, s18  }
0xa2: {  	s7 =	simm.s32 $0x0;
	s20 =	sshll.u32 s5, $0x1;
	s5 =	sadd.s32 s21, s3  }
0xa3: {  	[timem:s7], [sflag:s22] =	dma.local [hbm:s5], s20  }
0xa4: {  	_ =	swait.ge [sflag:s22], s20  }
0xa5: {  	s4 =	ssub.s32 $0x0, s20;
	[sflag:s22] =	ssyncset.done $0x0  }
0xa6: {  	[sflag:s22] =	ssyncadd.s32 s4;
	_ =	sdelay $0x1  }
0xa7: {  	s23 =	simm.s32 $0x1B8B  }
0xa8: {  	_ =	swait.ge [sflag:s23], $0x1  }
0xa9: {  	[sflag:s23] =	ssyncset.done $0x0  }
0xaa: {  	s25 =	simm.s32 $0x1B8E;
	s24 =	sld [smem:$0x3FFE];
	[sflag:s23] =	ssyncadd.s32 $0xFFFFFFFF  }
0xab: {  	s26 =	simm.s32 $execute0_lowered;
	[smem:$0x3FD2] =	sst s25  }
0xac: {  	s5 =	sshll.u32 s26, $0x1;
	_ =	strace $0x80000046;
	[dreg:$0x1] =	wrdreg $0xFFFFFFFF  }
0xad: {  	s28 =	simm.s32 $_size_execute0_lowered;
	s3 =	sadd.s32 s3, s5;
	[dreg:$0x0] =	wrdreg $0x0  }
0xae: {  	s5 =	sshll.u32 s28, $0x1;
	[dreg:$0x2] =	wrdreg s3  }
0xaf: {  	[dreg:$0x3] =	wrdreg s5  }
0xb0: {  	[dreg:$0x4] =	wrdreg $0xC0  }
0xb1: {  	_ =	task [dreg:s7], $0x5FFFF  }
0xb2: {  	[dreg:$0x1] =	wrdreg $0xFFFFFFFF  }
0xb3: {  	[dreg:$0x0] =	wrdreg $0x60  }
0xb4: {  	[dreg:$0x2] =	wrdreg s24  }
0xb5: {  	[dreg:$0x3] =	wrdreg s16  }
0xb6: {  	[dreg:$0x4] =	wrdreg $0x9  }
0xb7: {  	_ =	task.clear_ibuf [dreg:s7], $0x5FFFF;
	_ =	strace $0x90000046  }
0xb8: {  	s29 =	simm.s32 $0x9;
	_ =	strace $0x80000048  }
0xb9: {  	_ =	swait.ge [sflag:s29], $0x1  }
0xba: {  	[sflag:s29] =	ssyncadd.s32 $0xFFFFFFFF  }
0xbb: {  	_ =	strace $0x90000048  }
0xbc: {  	_ =	sfence  }
0xbd: {  	s30 =	sld [smem:$0x0];
	_ =	sdelay $0x2  }
0xbe: {  	s31 =	sshll.u32 s1, $0xD;
	s1 =	sshrl.u32 s1, $0x2  }
0xbf: {  	s3 =	sand.u32 $0x4000, s31;
	s1 =	sadd.s32 s1, s30  }
0xc0: {  	s0 =	sor.u32 s3, s0;
	s1 =	sshll.u32 s1, $0x11  }
0xc1: {  	s0 =	sor.u32 s1, s0  }
0xc2: {  	s0 =	sadd.s32 $0x8F2B, s0  }
0xc3: {  	[sflag:s0] =	ssyncadd.remote.s32 $0x1  }
0xc4: {  	_ =	sfence.sel $0xFFFF  }
0xc5: {  	[dreg:$0x0] =	wrdreg $0xFFFFFFFF;
	(pc) =	sbr.abs _section_cstart, $3  }
0xc6: {  	[dreg:$0x1] =	wrdreg $0xFFFFFFFF  }
0xc7: {  	_ =	task.clear_ibuf [dreg:s7], $0x2FFFF;
	_ =	strace $0x9FFFFFFF  }
0xc8: {  	(tm) =	ssettm $0x7FFFFFFF  }
0xc9: {  	_ =	shalt  }
tec
execute0_lowered:
.L_overlay_start_1:
0x0: {  	(tag) =	ssettag $0x1  }
0x1: {  	s1 =	srdreg.scid  }
0x2: {  	s8 =	rddreg [dreg:$0x0];
	s0 =	stileid.u32  }
0x3: {  	s3 =	rddreg [dreg:$0x1];
	s2 =	simm.s32 $0x0;
	s6 =	sand.u32 $0x1, s1  }
0x4: {  	s4 =	sshll.u32 s0, $0xB;
	s1 =	rddreg [dreg:$0x2];
	s5 =	sshll.u32 s6, $0xA  }
0x5: {  	s7 =	simm.s32 $0x1;
	[smem:$0x7FF] =	sst s2;
	s9 =	sor.u32 s5, s4  }
0x6: {  	_ =	strace $0x80000047;
	s10 =	ssub.s32 $0x2, s6;
	s4 =	sshrl.u32 s9, $0x3  }
0x7: {  	s6 =	simm.s32 $0x400;
	s4 =	sadd.s32 s3, s4;
	s3 =	simm.s32 $0x2  }
0x8: {  	[tilespmem:s2], [sflag:$0x2] =	stream.linear.gather [hbm4b:s4+s2], $0x400, $0x38;
	[tilespmem:$0x4400] =	vst v63  }
0x9: {  	s5 =	sadd.s32 $0x600, s8;
	s11 =	sshrl.u32 s10, $0x1;
	_ =	swait.ge [sflag:s3], $0x400  }
0xa: {  	s9 =	sshll.u32 s9, $0x1;
	s31 =	ssub.s32 s10, s11;
	[sflag:s3] =	ssyncset.done $0x0  }
0xb: {  	s8 =	sadd.s32 s9, s8;
	s9 =	smax.u32 s31, $0x1;
	[sflag:s3] =	ssyncadd.s32 $0xFFFFFC00  }
0xc: {  	[tilespmem:s6], [sflag:$0x1] =	stream.indirect.gather [hbm4b:s5+s6], $0x10, s2, s6, $0xb8;
	[tilespmem:$0x4400] =	vst v63  }
0xd: {  	p0 =	sne.s32 s9, $0x1;
	_ =	swait.ge [sflag:s7], $0x4000  }
.Ltmp0:
0xe: {  	[sflag:s7] =	ssyncset.done $0x0;
	(pc) =	sbr.rel @!p0 .LBB2_2-.Ltmp0, $4  }
0xf: {  	s8 =	sadd.s32 $0x8600, s8;
	[sflag:s7] =	ssyncadd.s32 $0xFFFFC000  }
0x10: {  	[hbm4b:s8+s2] =	stream.linear.scatter [tilespmem:s6], [sflag:$0x2], $0x4000, $0x38;
	[tilespmem:$0x4400] =	vst v63  }
0x11: {  	_ =	swait.ge [sflag:s3], $0x4000  }
0x12: {  	s9 =	sadd.s32 $0xFFFFFFFF, s9;
	[sflag:s3] =	ssyncset.done $0x0  }
.LBB2_1:
0x13: {  	p0 =	sne.s32 s9, $0x1;
	s9 =	sadd.s32 $0xFFFFFFFF, s9;
	[sflag:s3] =	ssyncadd.s32 $0xFFFFC000  }
0x14: {  	[tilespmem:s2], [sflag:$0x2] =	stream.linear.gather [hbm4b:s4+s2], $0x400, $0x38;
	[tilespmem:$0x4400] =	vst v63  }
0x15: {  	_ =	swait.ge [sflag:s3], $0x400  }
0x16: {  	[sflag:s3] =	ssyncset.done $0x0  }
0x17: {  	[sflag:s3] =	ssyncadd.s32 $0xFFFFFC00  }
0x18: {  	[tilespmem:s6], [sflag:$0x1] =	stream.indirect.gather [hbm4b:s5+s6], $0x10, s2, s6, $0xb8;
	[tilespmem:$0x4400] =	vst v63  }
0x19: {  	_ =	swait.ge [sflag:s7], $0x4000  }
.Ltmp1:
0x1a: {  	[sflag:s7] =	ssyncset.done $0x0;
	(pc) =	sbr.rel @p0 .LBB2_1-.Ltmp1, $4  }
0x1b: {  	[sflag:s7] =	ssyncadd.s32 $0xFFFFC000  }
0x1c: {  	[hbm4b:s8+s2] =	stream.linear.scatter [tilespmem:s6], [sflag:$0x2], $0x4000, $0x38;
	[tilespmem:$0x4400] =	vst v63  }
0x1d: {  	_ =	swait.ge [sflag:s3], $0x4000  }
0x1e: {  	[sflag:s3] =	ssyncset.done $0x0  }
.LBB2_2:
0x1f: {  	[sflag:s3] =	ssyncadd.s32 $0xFFFFC000  }
0x20: {  	_ =	sfence.sel $0x180000  }
0x21: {  	[bflag:$0x0] =	sbarrier.arrive $0xFFFF  }
0x22: {  	p0 =	sne.s32 s0, $0x0;
	_ =	strace $0x90000047  }
0x23: {  	s0 =	sadd.s32 @!p0 $0x100000, s1;
	[bflag:$0x2] =	sbarrier.arrive $0xFFFF  }
0x24: {  	[sflag:s0] =	ssyncadd.tile.s32 @!p0 $0x1;
	_ =	shalt  }
.Lfunc_end2:
_tile_overlayer_lowered:
.L_overlay_start_2:
0x25: {  	(tag) =	ssettag $0x2  }
0x26: {  	s0 =	rddreg [dreg:$0x0];
	s2 =	stileid.u32  }
0x27: {  	s1 =	rddreg [dreg:$0x1];
	p0 =	sne.s32 s2, $0x0  }
0x28: {  	s3 =	rddreg [dreg:$0x2];
	[bflag:$0x3] =	sbarrier.arrive $0xFFFF;
	s2 =	simm.s32 @!p0 $0x1C02  }
0x29: {  	[timem:s3], [sflag:s2] =	dma.local @!p0 [hbm:s0], s1  }
0x2a: {  	s0 =	simm.s32 @!p0 $0x2  }
0x2b: {  	_ =	swait.ge @!p0 [sflag:s0], s1  }
0x2c: {  	s1 =	ssub.s32 @!p0 $0x0, s1;
	[sflag:s0] =	ssyncset.done @!p0 $0x0  }
0x2d: {  	[sflag:s0] =	ssyncadd.s32 @!p0 s1  }
0x2e: {  	[bflag:$0x3] =	sbarrier.arrive $0xFFFF  }
0x2f: {  	_ =	shalt  }

</sc_bundles>
